<compile_context>
chip_gen: v7x
topology: tpu7x:2x2x1
jax: 0.10.2.dev20260603
libtpu: 0.0.44.dev20260713+nightly
codegen_flags: <defaults>
</compile_context>

<pallas_src>
import functools
import math

import jax
import jax.numpy as jnp
from jax import lax
from jax.experimental import pallas as pl
from jax.experimental.pallas import tpu as pltpu
from jax.experimental.pallas import tpu_sc as plsc

B, C, E, O = 1024, 2, 64, 64
SEG, NN, W = 32, 6, 161
CW = C * W
AW = 336
NWORK = 32
BPW = B // NWORK

_XP = [-math.cos(math.pi * k / (NN - 1)) for k in range(NN)]
_INVDEN = []
for _j in range(NN):
    _d = 1.0
    for _m in range(NN):
        if _m != _j:
            _d *= _XP[_j] - _XP[_m]
    _INVDEN.append(1.0 / _d)

_mesh = plsc.VectorSubcoreMesh(core_axis_name="c", subcore_axis_name="s")


@functools.partial(
    pl.kernel,
    mesh=_mesh,
    compiler_params=pltpu.CompilerParams(needs_layout_passes=False),
    out_type=jax.ShapeDtypeStruct((B, AW), jnp.float32),
    scratch_types=[
        pltpu.VMEM((BPW, C * E), jnp.float32),
        pltpu.VMEM((BPW, AW), jnp.float32),
        pltpu.SemaphoreType.DMA,
    ],
)
def _sc_accum(x_hbm, a_hbm, x_v, a_v, sem):
    wid = lax.axis_index("s") * 2 + lax.axis_index("c")
    cp = pltpu.async_copy(x_hbm.at[pl.ds(wid * BPW, BPW)], x_v, sem)

    zero16 = jnp.zeros((16,), jnp.float32)

    @plsc.parallel_loop(0, BPW, unroll=2)
    def _zero(r):
        for k in range(AW // 16):
            a_v[r, pl.ds(k * 16, 16)] = zero16

    cp.wait()

    lanes = lax.iota(jnp.int32, 16)
    parW = (lanes & 1) * W

    @plsc.parallel_loop(0, BPW * C * (E // 16), unroll=2)
    def _body(i):
        r = i >> 3
        tc = (i >> 2) & 1
        k = i & 3
        rv = lax.broadcast(r, (16,))
        xi = x_v[r, pl.ds(tc * E + k * 16, 16)]
        tid = jnp.minimum(((xi + 1.0) * 16.0).astype(jnp.int32), SEG - 1)
        x_in = 32.0 * xi - 2.0 * tid.astype(jnp.float32) + 31.0
        d0 = x_in - _XP[0]
        d1 = x_in - _XP[1]
        d2 = x_in - _XP[2]
        d3 = x_in - _XP[3]
        d4 = x_in - _XP[4]
        d5 = x_in - _XP[5]
        p01 = d0 * d1
        p012 = p01 * d2
        p0123 = p012 * d3
        p01234 = p0123 * d4
        s45 = d4 * d5
        s345 = d3 * s45
        s2345 = d2 * s345
        s12345 = d1 * s2345
        b0 = s12345 * _INVDEN[0]
        b1 = (d0 * s2345) * _INVDEN[1]
        b2 = (p01 * s345) * _INVDEN[2]
        b3 = (p012 * s45) * _INVDEN[3]
        b4 = (p0123 * d5) * _INVDEN[4]
        b5 = p01234 * _INVDEN[5]
        col = 5 * tid + parW
        plsc.addupdate_scatter(a_v, [rv, col], b0)
        plsc.addupdate_scatter(a_v, [rv, col + 1], b1)
        plsc.addupdate_scatter(a_v, [rv, col + 2], b2)
        plsc.addupdate_scatter(a_v, [rv, col + 3], b3)
        plsc.addupdate_scatter(a_v, [rv, col + 4], b4)
        plsc.addupdate_scatter(a_v, [rv, col + 5], b5)

    pltpu.sync_copy(a_v, a_hbm.at[pl.ds(wid * BPW, BPW)])


def _mm_body(a_ref, w_ref, o_ref):
    o_ref[...] = lax.dot_general(
        a_ref[:, :CW], w_ref[...],
        (((1,), (1,)), ((), ())),
        preferred_element_type=jnp.float32,
    )


def kernel(x, w):
    a = _sc_accum(x.reshape(B, C * E))
    return pl.pallas_call(
        _mm_body,
        out_shape=jax.ShapeDtypeStruct((B, O), jnp.float32),
    )(a, w.reshape(O, CW))

# --- scband reference (transcript-rebuilt; emitter-appended) ---
"""Pipeline reference for scband-piecewise-shared-fully-connected-48430051229716 (READ-ONLY COPY).

The authoritative reference and input builder live on the scoring server;
editing this copy changes nothing except your own understanding.
"""

import jax, jax.numpy as jnp
import numpy as np

N = 6
SEGMENTS = 32
IN_CHANNELS = 2
IN_ELEMENTS = 64
OUT_FEATURES = 64
BATCH = 1024
LENGTH = 2.0
HALF = 0.5 * LENGTH
W_COLS = (N - 1) * SEGMENTS + 1


def chebyshev_lobatto(n):
    k = np.arange(n)
    return -np.cos(np.pi * k / (n - 1))


X_PTS = jnp.asarray(chebyshev_lobatto(N), dtype=jnp.float32)


def lagrange_basis(x, j):
    r = jnp.ones_like(x)
    for m in range(N):
        if m != j:
            r = r * (x - X_PTS[m]) / (X_PTS[j] - X_PTS[m])
    return r


def setup_inputs(seed: int = 0) -> dict:
    key = jax.random.key(seed)
    k1, k2 = jax.random.split(key)
    x = jax.random.uniform(k1, (BATCH, IN_CHANNELS, IN_ELEMENTS), dtype=jnp.float32, minval=-1.0, maxval=1.0)
    wm = 1.0 / IN_ELEMENTS
    w = jax.random.uniform(k2, (OUT_FEATURES, IN_CHANNELS, W_COLS), dtype=jnp.float32, minval=-wm, maxval=wm)
    return {"x": x, "w": w}


def reference(x, w):
    # segment index per input value (torch .long() truncates toward zero, as does astype)
    id_min = ((x + HALF) / LENGTH * SEGMENTS).astype(jnp.int32)
    id_min = jnp.clip(id_min, 0, SEGMENTS - 1)
    id_max = id_min + 1
    wid_min = id_min * (N - 1)
    wid_min_flat = wid_min.reshape(-1)
    wrange = wid_min_flat[:, None] + jnp.arange(N)  # [B*C*E, N]
    windex = (jnp.arange(wrange.shape[0] * wrange.shape[1]) // N) % IN_CHANNELS
    wrange_flat = wrange.reshape(-1)
    # gather: w[out, windex, wrange] -> [OUT, B*C*E*N]
    wg = w[:, windex, wrange_flat]
    wg = wg.reshape(OUT_FEATURES, BATCH, IN_CHANNELS, IN_ELEMENTS, N)
    wg = jnp.transpose(wg, (1, 0, 2, 3, 4))  # [batch, out, c, e, n]
    # eta: map segment index to [-1, 1]
    x_min = id_min.astype(jnp.float32) / float(SEGMENTS) * 2.0 - 1.0
    x_max = id_max.astype(jnp.float32) / float(SEGMENTS) * 2.0 - 1.0
    x_in = LENGTH * ((x - x_min) / (x_max - x_min)) - HALF
    # Lagrange interpolation on Chebyshev-Lobatto nodes
    basis = jnp.stack([lagrange_basis(x_in, j) for j in range(N)])  # [n, batch, c, e]
    out = jnp.einsum("jbce,bocej->bo", basis, wg)  # [batch, out]
    return out

if __name__ == "__main__":
    import jax
    _d = setup_inputs()
    print(jax.jit(kernel)(*tuple(_d.values())))

</pallas_src>

<mosaic_0001>
#map = affine_map<(d0, d1) -> (0, 0)>
module attributes {stable_mosaic.version = 14 : i64} {
  func.func @_sc_accum(%arg0: i32, %arg1: i32, %arg2: memref<1024x128xf32, #tpu.memory_space<hbm>>, %arg3: memref<1024x336xf32, #tpu.memory_space<hbm>>, %arg4: memref<32x128xf32, #tpu.memory_space<vmem>>, %arg5: memref<32x336xf32, #tpu.memory_space<vmem>>, %arg6: memref<!tpu.dma_semaphore, #tpu.memory_space<semaphore_mem>>) attributes {dimension_semantics = [#tpu.dimension_semantics<core_parallel>, #tpu.dimension_semantics<subcore_parallel>], iteration_bounds = array<i64: 2, 16>, scalar_prefetch = 0 : i64, scratch_operands = 3 : i64, tpu.core_type = #tpu.core_type<sc_vector_subcore>, window_params = [{transform_indices = #map}, {transform_indices = #map}]} {
    %mul3A = arith.constant 2 : i32
    %mul3A_0 = arith.muli %arg1, %mul3A : i32
    %add3A = arith.addi %mul3A_0, %arg0 : i32
    %mul3A_1 = arith.constant 32 : i32
    %mul3A_2 = arith.muli %add3A, %mul3A_1 : i32
    %dma_start3A = arith.constant 0 : i32
    %dma_start3A_3 = tpu.memref_slice %arg2[%mul3A_2, %dma_start3A] : memref<1024x128xf32, #tpu.memory_space<hbm>> -> memref<32x128xf32, #tpu.memory_space<hbm>>
    %dma_start3A_4 = arith.constant 0 : i32
    %dma_start3A_5 = tpu.memref_slice %arg2[%mul3A_2, %dma_start3A_4] : memref<1024x128xf32, #tpu.memory_space<hbm>> -> memref<32x128xf32, #tpu.memory_space<hbm>>
    tpu.enqueue_dma source(%dma_start3A_5 : memref<32x128xf32, #tpu.memory_space<hbm>>) target(%arg4 : memref<32x128xf32, #tpu.memory_space<vmem>>) target_semaphore(%arg6 : memref<!tpu.dma_semaphore, #tpu.memory_space<semaphore_mem>>)
    %broadcast_in_dim3A = arith.constant 0.000000e+00 : f32
    %broadcast_in_dim3A_6 = vector.broadcast %broadcast_in_dim3A : f32 to vector<16xf32>
    %parallel_loop3A = arith.constant 0 : i32
    %parallel_loop3A_7 = arith.constant 32 : i32
    %parallel_loop3A_8 = arith.constant 1 : i32
    scf.for %parallel_loop3A_22 = %parallel_loop3A to %parallel_loop3A_7 step %parallel_loop3A_8  : i32 {
      %parallel_loop3A_23 = arith.index_cast %parallel_loop3A_22 : i32 to index
      %parallel_loop3A_24 = arith.constant 0 : index
      %parallel_loop3A_25 = tpu.vector_load %arg5[%parallel_loop3A_23, %parallel_loop3A_24] {strides = array<i32>} : memref<32x336xf32, #tpu.memory_space<vmem>>, vector<16xf32>,
      tpu.vector_store %arg5[%parallel_loop3A_23, %parallel_loop3A_24], %broadcast_in_dim3A_6 {strides = array<i32>} : memref<32x336xf32, #tpu.memory_space<vmem>>, vector<16xf32>,
      %parallel_loop3A_26 = arith.index_cast %parallel_loop3A_22 : i32 to index
      %parallel_loop3A_27 = arith.constant 16 : index
      %parallel_loop3A_28 = tpu.vector_load %arg5[%parallel_loop3A_26, %parallel_loop3A_27] {strides = array<i32>} : memref<32x336xf32, #tpu.memory_space<vmem>>, vector<16xf32>,
      tpu.vector_store %arg5[%parallel_loop3A_26, %parallel_loop3A_27], %broadcast_in_dim3A_6 {strides = array<i32>} : memref<32x336xf32, #tpu.memory_space<vmem>>, vector<16xf32>,
      %parallel_loop3A_29 = arith.index_cast %parallel_loop3A_22 : i32 to index
      %parallel_loop3A_30 = arith.constant 32 : index
      %parallel_loop3A_31 = tpu.vector_load %arg5[%parallel_loop3A_29, %parallel_loop3A_30] {strides = array<i32>} : memref<32x336xf32, #tpu.memory_space<vmem>>, vector<16xf32>,
      tpu.vector_store %arg5[%parallel_loop3A_29, %parallel_loop3A_30], %broadcast_in_dim3A_6 {strides = array<i32>} : memref<32x336xf32, #tpu.memory_space<vmem>>, vector<16xf32>,
      %parallel_loop3A_32 = arith.index_cast %parallel_loop3A_22 : i32 to index
      %parallel_loop3A_33 = arith.constant 48 : index
      %parallel_loop3A_34 = tpu.vector_load %arg5[%parallel_loop3A_32, %parallel_loop3A_33] {strides = array<i32>} : memref<32x336xf32, #tpu.memory_space<vmem>>, vector<16xf32>,
      tpu.vector_store %arg5[%parallel_loop3A_32, %parallel_loop3A_33], %broadcast_in_dim3A_6 {strides = array<i32>} : memref<32x336xf32, #tpu.memory_space<vmem>>, vector<16xf32>,
      %parallel_loop3A_35 = arith.index_cast %parallel_loop3A_22 : i32 to index
      %parallel_loop3A_36 = arith.constant 64 : index
      %parallel_loop3A_37 = tpu.vector_load %arg5[%parallel_loop3A_35, %parallel_loop3A_36] {strides = array<i32>} : memref<32x336xf32, #tpu.memory_space<vmem>>, vector<16xf32>,
      tpu.vector_store %arg5[%parallel_loop3A_35, %parallel_loop3A_36], %broadcast_in_dim3A_6 {strides = array<i32>} : memref<32x336xf32, #tpu.memory_space<vmem>>, vector<16xf32>,
      %parallel_loop3A_38 = arith.index_cast %parallel_loop3A_22 : i32 to index
      %parallel_loop3A_39 = arith.constant 80 : index
      %parallel_loop3A_40 = tpu.vector_load %arg5[%parallel_loop3A_38, %parallel_loop3A_39] {strides = array<i32>} : memref<32x336xf32, #tpu.memory_space<vmem>>, vector<16xf32>,
      tpu.vector_store %arg5[%parallel_loop3A_38, %parallel_loop3A_39], %broadcast_in_dim3A_6 {strides = array<i32>} : memref<32x336xf32, #tpu.memory_space<vmem>>, vector<16xf32>,
      %parallel_loop3A_41 = arith.index_cast %parallel_loop3A_22 : i32 to index
      %parallel_loop3A_42 = arith.constant 96 : index
      %parallel_loop3A_43 = tpu.vector_load %arg5[%parallel_loop3A_41, %parallel_loop3A_42] {strides = array<i32>} : memref<32x336xf32, #tpu.memory_space<vmem>>, vector<16xf32>,
      tpu.vector_store %arg5[%parallel_loop3A_41, %parallel_loop3A_42], %broadcast_in_dim3A_6 {strides = array<i32>} : memref<32x336xf32, #tpu.memory_space<vmem>>, vector<16xf32>,
      %parallel_loop3A_44 = arith.index_cast %parallel_loop3A_22 : i32 to index
      %parallel_loop3A_45 = arith.constant 112 : index
      %parallel_loop3A_46 = tpu.vector_load %arg5[%parallel_loop3A_44, %parallel_loop3A_45] {strides = array<i32>} : memref<32x336xf32, #tpu.memory_space<vmem>>, vector<16xf32>,
      tpu.vector_store %arg5[%parallel_loop3A_44, %parallel_loop3A_45], %broadcast_in_dim3A_6 {strides = array<i32>} : memref<32x336xf32, #tpu.memory_space<vmem>>, vector<16xf32>,
      %parallel_loop3A_47 = arith.index_cast %parallel_loop3A_22 : i32 to index
      %parallel_loop3A_48 = arith.constant 128 : index
      %parallel_loop3A_49 = tpu.vector_load %arg5[%parallel_loop3A_47, %parallel_loop3A_48] {strides = array<i32>} : memref<32x336xf32, #tpu.memory_space<vmem>>, vector<16xf32>,
      tpu.vector_store %arg5[%parallel_loop3A_47, %parallel_loop3A_48], %broadcast_in_dim3A_6 {strides = array<i32>} : memref<32x336xf32, #tpu.memory_space<vmem>>, vector<16xf32>,
      %parallel_loop3A_50 = arith.index_cast %parallel_loop3A_22 : i32 to index
      %parallel_loop3A_51 = arith.constant 144 : index
      %parallel_loop3A_52 = tpu.vector_load %arg5[%parallel_loop3A_50, %parallel_loop3A_51] {strides = array<i32>} : memref<32x336xf32, #tpu.memory_space<vmem>>, vector<16xf32>,
      tpu.vector_store %arg5[%parallel_loop3A_50, %parallel_loop3A_51], %broadcast_in_dim3A_6 {strides = array<i32>} : memref<32x336xf32, #tpu.memory_space<vmem>>, vector<16xf32>,
      %parallel_loop3A_53 = arith.index_cast %parallel_loop3A_22 : i32 to index
      %parallel_loop3A_54 = arith.constant 160 : index
      %parallel_loop3A_55 = tpu.vector_load %arg5[%parallel_loop3A_53, %parallel_loop3A_54] {strides = array<i32>} : memref<32x336xf32, #tpu.memory_space<vmem>>, vector<16xf32>,
      tpu.vector_store %arg5[%parallel_loop3A_53, %parallel_loop3A_54], %broadcast_in_dim3A_6 {strides = array<i32>} : memref<32x336xf32, #tpu.memory_space<vmem>>, vector<16xf32>,
      %parallel_loop3A_56 = arith.index_cast %parallel_loop3A_22 : i32 to index
      %parallel_loop3A_57 = arith.constant 176 : index
      %parallel_loop3A_58 = tpu.vector_load %arg5[%parallel_loop3A_56, %parallel_loop3A_57] {strides = array<i32>} : memref<32x336xf32, #tpu.memory_space<vmem>>, vector<16xf32>,
      tpu.vector_store %arg5[%parallel_loop3A_56, %parallel_loop3A_57], %broadcast_in_dim3A_6 {strides = array<i32>} : memref<32x336xf32, #tpu.memory_space<vmem>>, vector<16xf32>,
      %parallel_loop3A_59 = arith.index_cast %parallel_loop3A_22 : i32 to index
      %parallel_loop3A_60 = arith.constant 192 : index
      %parallel_loop3A_61 = tpu.vector_load %arg5[%parallel_loop3A_59, %parallel_loop3A_60] {strides = array<i32>} : memref<32x336xf32, #tpu.memory_space<vmem>>, vector<16xf32>,
      tpu.vector_store %arg5[%parallel_loop3A_59, %parallel_loop3A_60], %broadcast_in_dim3A_6 {strides = array<i32>} : memref<32x336xf32, #tpu.memory_space<vmem>>, vector<16xf32>,
      %parallel_loop3A_62 = arith.index_cast %parallel_loop3A_22 : i32 to index
      %parallel_loop3A_63 = arith.constant 208 : index
      %parallel_loop3A_64 = tpu.vector_load %arg5[%parallel_loop3A_62, %parallel_loop3A_63] {strides = array<i32>} : memref<32x336xf32, #tpu.memory_space<vmem>>, vector<16xf32>,
      tpu.vector_store %arg5[%parallel_loop3A_62, %parallel_loop3A_63], %broadcast_in_dim3A_6 {strides = array<i32>} : memref<32x336xf32, #tpu.memory_space<vmem>>, vector<16xf32>,
      %parallel_loop3A_65 = arith.index_cast %parallel_loop3A_22 : i32 to index
      %parallel_loop3A_66 = arith.constant 224 : index
      %parallel_loop3A_67 = tpu.vector_load %arg5[%parallel_loop3A_65, %parallel_loop3A_66] {strides = array<i32>} : memref<32x336xf32, #tpu.memory_space<vmem>>, vector<16xf32>,
      tpu.vector_store %arg5[%parallel_loop3A_65, %parallel_loop3A_66], %broadcast_in_dim3A_6 {strides = array<i32>} : memref<32x336xf32, #tpu.memory_space<vmem>>, vector<16xf32>,
      %parallel_loop3A_68 = arith.index_cast %parallel_loop3A_22 : i32 to index
      %parallel_loop3A_69 = arith.constant 240 : index
      %parallel_loop3A_70 = tpu.vector_load %arg5[%parallel_loop3A_68, %parallel_loop3A_69] {strides = array<i32>} : memref<32x336xf32, #tpu.memory_space<vmem>>, vector<16xf32>,
      tpu.vector_store %arg5[%parallel_loop3A_68, %parallel_loop3A_69], %broadcast_in_dim3A_6 {strides = array<i32>} : memref<32x336xf32, #tpu.memory_space<vmem>>, vector<16xf32>,
      %parallel_loop3A_71 = arith.index_cast %parallel_loop3A_22 : i32 to index
      %parallel_loop3A_72 = arith.constant 256 : index
      %parallel_loop3A_73 = tpu.vector_load %arg5[%parallel_loop3A_71, %parallel_loop3A_72] {strides = array<i32>} : memref<32x336xf32, #tpu.memory_space<vmem>>, vector<16xf32>,
      tpu.vector_store %arg5[%parallel_loop3A_71, %parallel_loop3A_72], %broadcast_in_dim3A_6 {strides = array<i32>} : memref<32x336xf32, #tpu.memory_space<vmem>>, vector<16xf32>,
      %parallel_loop3A_74 = arith.index_cast %parallel_loop3A_22 : i32 to index
      %parallel_loop3A_75 = arith.constant 272 : index
      %parallel_loop3A_76 = tpu.vector_load %arg5[%parallel_loop3A_74, %parallel_loop3A_75] {strides = array<i32>} : memref<32x336xf32, #tpu.memory_space<vmem>>, vector<16xf32>,
      tpu.vector_store %arg5[%parallel_loop3A_74, %parallel_loop3A_75], %broadcast_in_dim3A_6 {strides = array<i32>} : memref<32x336xf32, #tpu.memory_space<vmem>>, vector<16xf32>,
      %parallel_loop3A_77 = arith.index_cast %parallel_loop3A_22 : i32 to index
      %parallel_loop3A_78 = arith.constant 288 : index
      %parallel_loop3A_79 = tpu.vector_load %arg5[%parallel_loop3A_77, %parallel_loop3A_78] {strides = array<i32>} : memref<32x336xf32, #tpu.memory_space<vmem>>, vector<16xf32>,
      tpu.vector_store %arg5[%parallel_loop3A_77, %parallel_loop3A_78], %broadcast_in_dim3A_6 {strides = array<i32>} : memref<32x336xf32, #tpu.memory_space<vmem>>, vector<16xf32>,
      %parallel_loop3A_80 = arith.index_cast %parallel_loop3A_22 : i32 to index
      %parallel_loop3A_81 = arith.constant 304 : index
      %parallel_loop3A_82 = tpu.vector_load %arg5[%parallel_loop3A_80, %parallel_loop3A_81] {strides = array<i32>} : memref<32x336xf32, #tpu.memory_space<vmem>>, vector<16xf32>,
      tpu.vector_store %arg5[%parallel_loop3A_80, %parallel_loop3A_81], %broadcast_in_dim3A_6 {strides = array<i32>} : memref<32x336xf32, #tpu.memory_space<vmem>>, vector<16xf32>,
      %parallel_loop3A_83 = arith.index_cast %parallel_loop3A_22 : i32 to index
      %parallel_loop3A_84 = arith.constant 320 : index
      %parallel_loop3A_85 = tpu.vector_load %arg5[%parallel_loop3A_83, %parallel_loop3A_84] {strides = array<i32>} : memref<32x336xf32, #tpu.memory_space<vmem>>, vector<16xf32>,
      tpu.vector_store %arg5[%parallel_loop3A_83, %parallel_loop3A_84], %broadcast_in_dim3A_6 {strides = array<i32>} : memref<32x336xf32, #tpu.memory_space<vmem>>, vector<16xf32>,
    } {sc.loop_unroll_factor = 2 : i64, sc.parallel_access}
    %dma_wait3A = arith.constant 0 : i32
    %dma_wait3A_9 = tpu.memref_slice %arg2[%mul3A_2, %dma_wait3A] : memref<1024x128xf32, #tpu.memory_space<hbm>> -> memref<32x128xf32, #tpu.memory_space<hbm>>
    %dma_wait3A_10 = arith.constant 0 : i32
    %dma_wait3A_11 = tpu.memref_slice %arg2[%mul3A_2, %dma_wait3A_10] : memref<1024x128xf32, #tpu.memory_space<hbm>> -> memref<32x128xf32, #tpu.memory_space<hbm>>
    tpu.wait_dma2 semaphore(%arg6 : memref<!tpu.dma_semaphore, #tpu.memory_space<semaphore_mem>>) src(%dma_wait3A_11 : memref<32x128xf32, #tpu.memory_space<hbm>>) dst(%arg4 : memref<32x128xf32, #tpu.memory_space<vmem>>)
    %iota3A = tpu.iota {dimensions = array<i32: 0>} : vector<16xi32>
    %and3A = arith.constant 1 : i32
    %and3A_12 = vector.broadcast %and3A : i32 to vector<16xi32>
    %and3A_13 = arith.andi %iota3A, %and3A_12 : vector<16xi32>
    %mul3A_14 = arith.constant 161 : i32
    %mul3A_15 = vector.broadcast %mul3A_14 : i32 to vector<16xi32>
    %mul3A_16 = arith.muli %and3A_13, %mul3A_15 : vector<16xi32>
    %parallel_loop3A_17 = arith.constant 0 : i32
    %parallel_loop3A_18 = arith.constant 256 : i32
    %parallel_loop3A_19 = arith.constant 1 : i32
    scf.for %parallel_loop3A_22 = %parallel_loop3A_17 to %parallel_loop3A_18 step %parallel_loop3A_19  : i32 {
      %parallel_loop3A_23 = arith.constant 3 : i32
      %parallel_loop3A_24 = arith.shrsi %parallel_loop3A_22, %parallel_loop3A_23 : i32
      %parallel_loop3A_25 = arith.constant 2 : i32
      %parallel_loop3A_26 = arith.shrsi %parallel_loop3A_22, %parallel_loop3A_25 : i32
      %parallel_loop3A_27 = arith.constant 1 : i32
      %parallel_loop3A_28 = arith.andi %parallel_loop3A_26, %parallel_loop3A_27 : i32
      %parallel_loop3A_29 = arith.constant 3 : i32
      %parallel_loop3A_30 = arith.andi %parallel_loop3A_22, %parallel_loop3A_29 : i32
      %parallel_loop3A_31 = vector.broadcast %parallel_loop3A_24 : i32 to vector<16xi32>
      %parallel_loop3A_32 = arith.constant 64 : i32
      %parallel_loop3A_33 = arith.muli %parallel_loop3A_28, %parallel_loop3A_32 : i32
      %parallel_loop3A_34 = arith.constant 16 : i32
      %parallel_loop3A_35 = arith.muli %parallel_loop3A_30, %parallel_loop3A_34 : i32
      %parallel_loop3A_36 = arith.addi %parallel_loop3A_33, %parallel_loop3A_35 : i32
      %parallel_loop3A_37 = arith.index_cast %parallel_loop3A_24 : i32 to index
      %parallel_loop3A_38 = arith.index_cast %parallel_loop3A_36 : i32 to index
      %parallel_loop3A_39 = tpu.vector_load %arg4[%parallel_loop3A_37, %parallel_loop3A_38] {strides = array<i32>} : memref<32x128xf32, #tpu.memory_space<vmem>>, vector<16xf32>,
      %parallel_loop3A_40 = arith.constant 1.000000e+00 : f32
      %parallel_loop3A_41 = vector.broadcast %parallel_loop3A_40 : f32 to vector<16xf32>
      %parallel_loop3A_42 = arith.addf %parallel_loop3A_39, %parallel_loop3A_41 : vector<16xf32>
      %parallel_loop3A_43 = arith.constant 1.600000e+01 : f32
      %parallel_loop3A_44 = vector.broadcast %parallel_loop3A_43 : f32 to vector<16xf32>
      %parallel_loop3A_45 = arith.mulf %parallel_loop3A_42, %parallel_loop3A_44 : vector<16xf32>
      %parallel_loop3A_46 = arith.fptosi %parallel_loop3A_45 : vector<16xf32> to vector<16xi32>
      %parallel_loop3A_47 = arith.constant 31 : i32
      %parallel_loop3A_48 = vector.broadcast %parallel_loop3A_47 : i32 to vector<16xi32>
      %parallel_loop3A_49 = arith.minsi %parallel_loop3A_46, %parallel_loop3A_48 : vector<16xi32>
      %parallel_loop3A_50 = arith.constant 3.200000e+01 : f32
      %parallel_loop3A_51 = vector.broadcast %parallel_loop3A_50 : f32 to vector<16xf32>
      %parallel_loop3A_52 = arith.mulf %parallel_loop3A_51, %parallel_loop3A_39 : vector<16xf32>
      %parallel_loop3A_53 = arith.sitofp %parallel_loop3A_49 : vector<16xi32> to vector<16xf32>
      %parallel_loop3A_54 = arith.constant 2.000000e+00 : f32
      %parallel_loop3A_55 = vector.broadcast %parallel_loop3A_54 : f32 to vector<16xf32>
      %parallel_loop3A_56 = arith.mulf %parallel_loop3A_55, %parallel_loop3A_53 : vector<16xf32>
      %parallel_loop3A_57 = arith.subf %parallel_loop3A_52, %parallel_loop3A_56 : vector<16xf32>
      %parallel_loop3A_58 = arith.constant 3.100000e+01 : f32
      %parallel_loop3A_59 = vector.broadcast %parallel_loop3A_58 : f32 to vector<16xf32>
      %parallel_loop3A_60 = arith.addf %parallel_loop3A_57, %parallel_loop3A_59 : vector<16xf32>
      %parallel_loop3A_61 = arith.constant -1.000000e+00 : f32
      %parallel_loop3A_62 = vector.broadcast %parallel_loop3A_61 : f32 to vector<16xf32>
      %parallel_loop3A_63 = arith.subf %parallel_loop3A_60, %parallel_loop3A_62 : vector<16xf32>
      %parallel_loop3A_64 = arith.constant -8.090170e-01 : f32
      %parallel_loop3A_65 = vector.broadcast %parallel_loop3A_64 : f32 to vector<16xf32>
      %parallel_loop3A_66 = arith.subf %parallel_loop3A_60, %parallel_loop3A_65 : vector<16xf32>
      %parallel_loop3A_67 = arith.constant -3.090170e-01 : f32
      %parallel_loop3A_68 = vector.broadcast %parallel_loop3A_67 : f32 to vector<16xf32>
      %parallel_loop3A_69 = arith.subf %parallel_loop3A_60, %parallel_loop3A_68 : vector<16xf32>
      %parallel_loop3A_70 = arith.constant 3.090170e-01 : f32
      %parallel_loop3A_71 = vector.broadcast %parallel_loop3A_70 : f32 to vector<16xf32>
      %parallel_loop3A_72 = arith.subf %parallel_loop3A_60, %parallel_loop3A_71 : vector<16xf32>
      %parallel_loop3A_73 = arith.constant 8.090170e-01 : f32
      %parallel_loop3A_74 = vector.broadcast %parallel_loop3A_73 : f32 to vector<16xf32>
      %parallel_loop3A_75 = arith.subf %parallel_loop3A_60, %parallel_loop3A_74 : vector<16xf32>
      %parallel_loop3A_76 = arith.constant 1.000000e+00 : f32
      %parallel_loop3A_77 = vector.broadcast %parallel_loop3A_76 : f32 to vector<16xf32>
      %parallel_loop3A_78 = arith.subf %parallel_loop3A_60, %parallel_loop3A_77 : vector<16xf32>
      %parallel_loop3A_79 = arith.mulf %parallel_loop3A_63, %parallel_loop3A_66 : vector<16xf32>
      %parallel_loop3A_80 = arith.mulf %parallel_loop3A_79, %parallel_loop3A_69 : vector<16xf32>
      %parallel_loop3A_81 = arith.mulf %parallel_loop3A_80, %parallel_loop3A_72 : vector<16xf32>
      %parallel_loop3A_82 = arith.mulf %parallel_loop3A_81, %parallel_loop3A_75 : vector<16xf32>
      %parallel_loop3A_83 = arith.mulf %parallel_loop3A_75, %parallel_loop3A_78 : vector<16xf32>
      %parallel_loop3A_84 = arith.mulf %parallel_loop3A_72, %parallel_loop3A_83 : vector<16xf32>
      %parallel_loop3A_85 = arith.mulf %parallel_loop3A_69, %parallel_loop3A_84 : vector<16xf32>
      %parallel_loop3A_86 = arith.mulf %parallel_loop3A_66, %parallel_loop3A_85 : vector<16xf32>
      %parallel_loop3A_87 = arith.constant -1.600000e+00 : f32
      %parallel_loop3A_88 = vector.broadcast %parallel_loop3A_87 : f32 to vector<16xf32>
      %parallel_loop3A_89 = arith.mulf %parallel_loop3A_86, %parallel_loop3A_88 : vector<16xf32>
      %parallel_loop3A_90 = arith.mulf %parallel_loop3A_63, %parallel_loop3A_85 : vector<16xf32>
      %parallel_loop3A_91 = arith.constant 3.200000e+00 : f32
      %parallel_loop3A_92 = vector.broadcast %parallel_loop3A_91 : f32 to vector<16xf32>
      %parallel_loop3A_93 = arith.mulf %parallel_loop3A_90, %parallel_loop3A_92 : vector<16xf32>
      %parallel_loop3A_94 = arith.mulf %parallel_loop3A_79, %parallel_loop3A_84 : vector<16xf32>
      %parallel_loop3A_95 = arith.constant -3.200000e+00 : f32
      %parallel_loop3A_96 = vector.broadcast %parallel_loop3A_95 : f32 to vector<16xf32>
      %parallel_loop3A_97 = arith.mulf %parallel_loop3A_94, %parallel_loop3A_96 : vector<16xf32>
      %parallel_loop3A_98 = arith.mulf %parallel_loop3A_80, %parallel_loop3A_83 : vector<16xf32>
      %parallel_loop3A_99 = arith.constant 3.200000e+00 : f32
      %parallel_loop3A_100 = vector.broadcast %parallel_loop3A_99 : f32 to vector<16xf32>
      %parallel_loop3A_101 = arith.mulf %parallel_loop3A_98, %parallel_loop3A_100 : vector<16xf32>
      %parallel_loop3A_102 = arith.mulf %parallel_loop3A_81, %parallel_loop3A_78 : vector<16xf32>
      %parallel_loop3A_103 = arith.constant -3.200000e+00 : f32
      %parallel_loop3A_104 = vector.broadcast %parallel_loop3A_103 : f32 to vector<16xf32>
      %parallel_loop3A_105 = arith.mulf %parallel_loop3A_102, %parallel_loop3A_104 : vector<16xf32>
      %parallel_loop3A_106 = arith.constant 1.600000e+00 : f32
      %parallel_loop3A_107 = vector.broadcast %parallel_loop3A_106 : f32 to vector<16xf32>
      %parallel_loop3A_108 = arith.mulf %parallel_loop3A_82, %parallel_loop3A_107 : vector<16xf32>
      %parallel_loop3A_109 = arith.constant 5 : i32
      %parallel_loop3A_110 = vector.broadcast %parallel_loop3A_109 : i32 to vector<16xi32>
      %parallel_loop3A_111 = arith.muli %parallel_loop3A_110, %parallel_loop3A_49 : vector<16xi32>
      %parallel_loop3A_112 = arith.addi %parallel_loop3A_111, %mul3A_16 : vector<16xi32>
      tpu.vector_store_idx %arg5[%parallel_loop3A_31, %parallel_loop3A_112], %parallel_loop3A_89 {add = true} : memref<32x336xf32, #tpu.memory_space<vmem>>[vector<16xi32>, vector<16xi32>], vector<16xf32>,
      %parallel_loop3A_113 = arith.constant 1 : i32
      %parallel_loop3A_114 = vector.broadcast %parallel_loop3A_113 : i32 to vector<16xi32>
      %parallel_loop3A_115 = arith.addi %parallel_loop3A_112, %parallel_loop3A_114 : vector<16xi32>
      tpu.vector_store_idx %arg5[%parallel_loop3A_31, %parallel_loop3A_115], %parallel_loop3A_93 {add = true} : memref<32x336xf32, #tpu.memory_space<vmem>>[vector<16xi32>, vector<16xi32>], vector<16xf32>,
      %parallel_loop3A_116 = arith.constant 2 : i32
      %parallel_loop3A_117 = vector.broadcast %parallel_loop3A_116 : i32 to vector<16xi32>
      %parallel_loop3A_118 = arith.addi %parallel_loop3A_112, %parallel_loop3A_117 : vector<16xi32>
      tpu.vector_store_idx %arg5[%parallel_loop3A_31, %parallel_loop3A_118], %parallel_loop3A_97 {add = true} : memref<32x336xf32, #tpu.memory_space<vmem>>[vector<16xi32>, vector<16xi32>], vector<16xf32>,
      %parallel_loop3A_119 = arith.constant 3 : i32
      %parallel_loop3A_120 = vector.broadcast %parallel_loop3A_119 : i32 to vector<16xi32>
      %parallel_loop3A_121 = arith.addi %parallel_loop3A_112, %parallel_loop3A_120 : vector<16xi32>
      tpu.vector_store_idx %arg5[%parallel_loop3A_31, %parallel_loop3A_121], %parallel_loop3A_101 {add = true} : memref<32x336xf32, #tpu.memory_space<vmem>>[vector<16xi32>, vector<16xi32>], vector<16xf32>,
      %parallel_loop3A_122 = arith.constant 4 : i32
      %parallel_loop3A_123 = vector.broadcast %parallel_loop3A_122 : i32 to vector<16xi32>
      %parallel_loop3A_124 = arith.addi %parallel_loop3A_112, %parallel_loop3A_123 : vector<16xi32>
      tpu.vector_store_idx %arg5[%parallel_loop3A_31, %parallel_loop3A_124], %parallel_loop3A_105 {add = true} : memref<32x336xf32, #tpu.memory_space<vmem>>[vector<16xi32>, vector<16xi32>], vector<16xf32>,
      %parallel_loop3A_125 = arith.constant 5 : i32
      %parallel_loop3A_126 = vector.broadcast %parallel_loop3A_125 : i32 to vector<16xi32>
      %parallel_loop3A_127 = arith.addi %parallel_loop3A_112, %parallel_loop3A_126 : vector<16xi32>
      tpu.vector_store_idx %arg5[%parallel_loop3A_31, %parallel_loop3A_127], %parallel_loop3A_108 {add = true} : memref<32x336xf32, #tpu.memory_space<vmem>>[vector<16xi32>, vector<16xi32>], vector<16xf32>,
    } {sc.loop_unroll_factor = 2 : i64, sc.parallel_access}
    %mul3A_20 = arith.constant 32 : i32
    %mul3A_21 = arith.muli %add3A, %mul3A_20 : i32
    "tpu.region"() ({
      %run_scoped3A = tpu.sem_alloc : memref<!tpu.dma_semaphore, #tpu.memory_space<semaphore_mem>>
      %dma_start3A_22 = arith.constant 0 : i32
      %dma_start3A_23 = tpu.memref_slice %arg3[%mul3A_21, %dma_start3A_22] : memref<1024x336xf32, #tpu.memory_space<hbm>> -> memref<32x336xf32, #tpu.memory_space<hbm>>
      %dma_start3A_24 = arith.constant 0 : i32
      %dma_start3A_25 = tpu.memref_slice %arg3[%mul3A_21, %dma_start3A_24] : memref<1024x336xf32, #tpu.memory_space<hbm>> -> memref<32x336xf32, #tpu.memory_space<hbm>>
      tpu.enqueue_dma source(%arg5 : memref<32x336xf32, #tpu.memory_space<vmem>>) target(%dma_start3A_25 : memref<32x336xf32, #tpu.memory_space<hbm>>) target_semaphore(%run_scoped3A : memref<!tpu.dma_semaphore, #tpu.memory_space<semaphore_mem>>)
      %dma_wait3A_26 = arith.constant 0 : i32
      %dma_wait3A_27 = tpu.memref_slice %arg3[%mul3A_21, %dma_wait3A_26] : memref<1024x336xf32, #tpu.memory_space<hbm>> -> memref<32x336xf32, #tpu.memory_space<hbm>>
      %dma_wait3A_28 = arith.constant 0 : i32
      %dma_wait3A_29 = tpu.memref_slice %arg3[%mul3A_21, %dma_wait3A_28] : memref<1024x336xf32, #tpu.memory_space<hbm>> -> memref<32x336xf32, #tpu.memory_space<hbm>>
      tpu.wait_dma2 semaphore(%run_scoped3A : memref<!tpu.dma_semaphore, #tpu.memory_space<semaphore_mem>>) src(%arg5 : memref<32x336xf32, #tpu.memory_space<vmem>>) dst(%dma_wait3A_29 : memref<32x336xf32, #tpu.memory_space<hbm>>)
      tpu.yield
    }) : () -> ()
    return
  }
}

module attributes {stable_mosaic.version = 14 : i64} {
  func.func @_mm_body(%arg0: memref<1024x336xf32, #tpu.memory_space<vmem>>, %arg1: memref<64x322xf32, #tpu.memory_space<vmem>>, %arg2: memref<1024x64xf32, #tpu.memory_space<vmem>>) attributes {dimension_semantics = [], scalar_prefetch = 0 : i64, scratch_operands = 0 : i64, tpu.core_type = #tpu.core_type<tc>} {
    %get3A = arith.constant 0 : index
    %get3A_0 = arith.constant 0 : index
    %get3A_1 = vector.load %arg0[%get3A, %get3A_0] : memref<1024x336xf32, #tpu.memory_space<vmem>>, vector<1024x322xf32>
    %get3A_2 = arith.constant 0 : index
    %get3A_3 = arith.constant 0 : index
    %get3A_4 = vector.load %arg1[%get3A_2, %get3A_3] : memref<64x322xf32, #tpu.memory_space<vmem>>, vector<64x322xf32>
    %dot_general3A = arith.constant dense<0.000000e+00> : vector<1024x64xf32>
    %dot_general3A_5 = tpu.matmul %get3A_1, %get3A_4, %dot_general3A {dimension_numbers = #tpu.dot_dimension_numbers<[1], [1], [0], [0], [0, 0, 1, 0], [], []>, transpose_lhs_hint = false} : vector<1024x322xf32>, vector<64x322xf32>, vector<1024x64xf32> -> vector<1024x64xf32>
    %swap3A = arith.constant 0 : index
    %swap3A_6 = arith.constant 0 : index
    %swap3A_7 = vector.load %arg2[%swap3A, %swap3A_6] : memref<1024x64xf32, #tpu.memory_space<vmem>>, vector<1024x64xf32>
    tpu.vector_store %arg2[%swap3A, %swap3A_6], %dot_general3A_5 {strides = array<i32>} : memref<1024x64xf32, #tpu.memory_space<vmem>>, vector<1024x64xf32>,
    return
  }
}

</mosaic_0001>

<sc_bundles>
// kernel: kernel.4.cloned.1.call-start
scs
__scs_entry_jumppad:
0x0: {  	(pc) =	sbr.rel $0x88, $3  }
0x1: {  	(tag) =	ssettag $0x0;
	lr =	simm.s32 $0x1  }
0x2: {  	[smem:$0x3F9F] =	sst lr;
	_ =	strace $0xD0000000  }
0x3: {  	_ = 	snop  }
0x4: {  	_ = 	snop  }
0x5: {  	_ = 	snop  }
0x6: {  	_ = 	snop  }
0x7: {  	_ = 	snop  }
__scs_overlays_trampoline_lowered:
0x8: {  	[smem:$0x3FAE] =	sst s0  }
0x9: {  	[smem:$0x3FAF] =	sst s1  }
0xa: {  	[smem:$0x3FB0] =	sst s2  }
0xb: {  	[smem:$0x3FB1] =	sst s3  }
0xc: {  	[smem:$0x3FB2] =	sst s4  }
0xd: {  	[smem:$0x3FB3] =	sst s5  }
0xe: {  	[smem:$0x3FB4] =	sst s6  }
0xf: {  	[smem:$0x3FB5] =	sst s7  }
0x10: {  	[smem:$0x3FB6] =	sst s8  }
0x11: {  	[smem:$0x3FB7] =	sst s9;
	s0 =	simm.s32 @!p0 $0x0  }
0x12: {  	s1 =	sld [smem:$0x3F9D];
	s0 =	simm.s32 @p0 $0x1  }
0x13: {  	[smem:$0x3FB8] =	sst s0;
	s0 =	simm.s32 @!p1 $0x0  }
0x14: {  	s2 =	sld [smem:$0x3F9C];
	s0 =	simm.s32 @p1 $0x1  }
0x15: {  	[smem:$0x3FB9] =	sst s0;
	s0 =	simm.s32 @!p2 $0x0  }
0x16: {  	s3 =	sld [smem:$0x3FDB];
	s0 =	simm.s32 @p2 $0x1  }
0x17: {  	s4 =	simm.s32 $0x1BF5;
	[smem:$0x3FBB] =	sst s0  }
0x18: {  	s0 =	sld [smem:$0x3F9E];
	_ =	swait.ge [sflag:s4], $0x0  }
0x19: {  	s7 =	sld [smem:$0x3F9F]  }
0x1a: {  	s8 =	sadd.s32 $0xFFFFE003, lr  }
0x1b: {  	s9 =	sadd.s32 $0xFFFFFEF7, lr;
	s5 =	simm.s32 $0xFFFFFFFF;
	p2 =	slt.u32 s8, $0xFFFFF086  }
0x1c: {  	p1 =	slt.u32 s9, $0xF7A;
	s5 =	simm.s32 @!p2 $0x0  }
0x1d: {  	s5 =	simm.s32 @p1 $0x1;
	p0 =	seq.s32 s7, s2  }
0x1e: {  	s7 =	smul.u32 @!p0 $0xF7A, s2;
	p2 =	seq.s32 @!p0 s5, $0x0  }
0x1f: {  	s9 =	smul.u32 $0xF7A, s1;
	s8 =	simm.s32 @!p0 $0x1BF5;
	p2 =	por !p2, p0  }
0x20: {  	[sflag:s8] =	ssyncset.s32 @!p0 $0xFFFFF086;
	s6 =	sadd.s32 @!p0 s3, s7;
	s7 =	simm.s32 @!p0 $0x108  }
0x21: {  	s3 =	sadd.s32 s3, s9;
	s6 =	sadd.s32 @!p0 $0x88, s6;
	s7 =	simm.s32 @p2 $0x1082  }
0x22: {  	[simem:s7], [sflag:s8] =	dma.local @!p0 [hbm:s6], $0xF7A  }
0x23: {  	s9 =	sor.u32 $0xD0000000, s2;
	s6 =	simm.s32 $0x108;
	_ =	swait.ge @!p0 [sflag:s8], $0x0  }
0x24: {  	s3 =	sadd.s32 $0x88, s3;
	s6 =	simm.s32 @!p1 $0x1082;
	[sflag:s4] =	ssyncset.s32 $0xFFFFF086  }
0x25: {  	[simem:s6], [sflag:s4] =	dma.local [hbm:s3], $0xF7A  }
0x26: {  	[smem:$0x3F9F] =	sst s1;
	(tag) =	ssettag s2;
	_ =	strace s9  }
0x27: {  	s1 =	sld [smem:$0x3FAF]  }
0x28: {  	s2 =	sld [smem:$0x3FB0]  }
0x29: {  	s4 =	sld [smem:$0x3FB2]  }
0x2a: {  	p0 =	seq.s32 s5, $0x0;
	s5 =	sld [smem:$0x3FB3]  }
0x2b: {  	s6 =	sld [smem:$0x3FB4]  }
0x2c: {  	s7 =	sld [smem:$0x3FB5]  }
0x2d: {  	s3 =	simm.s32 $0x108;
	s8 =	sld [smem:$0x3FB6]  }
0x2e: {  	s3 =	simm.s32 @!p0 $0x1082;
	s9 =	sld [smem:$0x3FB7]  }
0x2f: {  	lr =	sadd.s32 s0, s3;
	s0 =	sld [smem:$0x3FAE]  }
0x30: {  	s3 =	sld [smem:$0x3FB1]  }
0x31: {  	[smem:$0x3FBA] =	sst s10  }
0x32: {  	s10 =	sld [smem:$0x3FB8];
	_ =	sdelay $0x3  }
0x33: {  	p0 =	seq.s32 s10, $0x1;
	s10 =	sld [smem:$0x3FBA];
	_ =	sdelay $0x3  }
0x34: {  	[smem:$0x3FBA] =	sst s10  }
0x35: {  	s10 =	sld [smem:$0x3FB9];
	_ =	sdelay $0x3  }
0x36: {  	p1 =	seq.s32 s10, $0x1;
	s10 =	sld [smem:$0x3FBA];
	_ =	sdelay $0x3  }
0x37: {  	[smem:$0x3FBA] =	sst s10  }
0x38: {  	s10 =	sld [smem:$0x3FBB]  }
0x39: {  	_ = 	snop;
	(pc) =	sbr.ind lr, $3  }
0x3a: {  	_ = 	snop  }
0x3b: {  	_ = 	snop  }
0x3c: {  	p2 =	seq.s32 s10, $0x1;
	s10 =	sld [smem:$0x3FBA]  }
0x3d: {  	_ =	shalt  }
0x3e: {  	_ =	shalt  }
0x3f: {  	_ =	shalt  }
0x40: {  	_ =	shalt  }
0x41: {  	_ =	shalt  }
0x42: {  	_ =	shalt  }
0x43: {  	_ =	shalt  }
0x44: {  	_ =	shalt  }
0x45: {  	_ =	shalt  }
0x46: {  	_ =	shalt  }
0x47: {  	_ =	shalt  }
0x48: {  	_ =	shalt  }
0x49: {  	_ =	shalt  }
0x4a: {  	_ =	shalt  }
0x4b: {  	_ =	shalt  }
0x4c: {  	_ =	shalt  }
0x4d: {  	_ =	shalt  }
0x4e: {  	_ =	shalt  }
0x4f: {  	_ =	shalt  }
0x50: {  	_ =	shalt  }
0x51: {  	_ =	shalt  }
0x52: {  	_ =	shalt  }
0x53: {  	_ =	shalt  }
0x54: {  	_ =	shalt  }
0x55: {  	_ =	shalt  }
0x56: {  	_ =	shalt  }
0x57: {  	_ =	shalt  }
0x58: {  	_ =	shalt  }
0x59: {  	_ =	shalt  }
0x5a: {  	_ =	shalt  }
0x5b: {  	_ =	shalt  }
0x5c: {  	_ =	shalt  }
0x5d: {  	_ =	shalt  }
0x5e: {  	_ =	shalt  }
0x5f: {  	_ =	shalt  }
0x60: {  	_ =	shalt  }
0x61: {  	_ =	shalt  }
0x62: {  	_ =	shalt  }
0x63: {  	_ =	shalt  }
0x64: {  	_ =	shalt  }
0x65: {  	_ =	shalt  }
0x66: {  	_ =	shalt  }
0x67: {  	_ =	shalt  }
0x68: {  	_ =	shalt  }
0x69: {  	_ =	shalt  }
0x6a: {  	_ =	shalt  }
0x6b: {  	_ =	shalt  }
0x6c: {  	_ =	shalt  }
0x6d: {  	_ =	shalt  }
0x6e: {  	_ =	shalt  }
0x6f: {  	_ =	shalt  }
0x70: {  	_ =	shalt  }
0x71: {  	_ =	shalt  }
0x72: {  	_ =	shalt  }
0x73: {  	_ =	shalt  }
0x74: {  	_ =	shalt  }
0x75: {  	_ =	shalt  }
0x76: {  	_ =	shalt  }
0x77: {  	_ =	shalt  }
0x78: {  	_ =	shalt  }
0x79: {  	_ =	shalt  }
0x7a: {  	_ =	shalt  }
0x7b: {  	_ =	shalt  }
0x7c: {  	_ =	shalt  }
0x7d: {  	_ =	shalt  }
0x7e: {  	_ =	shalt  }
0x7f: {  	_ =	shalt  }
0x80: {  	_ =	shalt  }
0x81: {  	_ =	shalt  }
0x82: {  	_ =	shalt  }
0x83: {  	_ =	shalt  }
0x84: {  	_ =	shalt  }
0x85: {  	_ =	shalt  }
0x86: {  	_ =	shalt  }
0x87: {  	_ =	shalt  }
.Lfunc_end0:
.L_simem_size_0:
called_computation_lowered:
.L_overlay_start_0:
0x88: {  	s2 =	sld [smem:$0x3FD9]  }
0x89: {  	s3 =	sld [smem:$0x3FFE];
	_ =	sdelay $0x1  }
0x8a: {  	s1 =	srdreg.scid  }
0x8b: {  	s0 =	sand.u32 $0x1, s1  }
0x8c: {  	s16 =	sshll.u32 s0, $0xA;
	s2 =	sadd.s32 s3, s2  }
0x8d: {  	s2 =	sadd.s32 s2, s16  }
0x8e: {  	[smem:$0x3FC6] =	sst s2  }
0x8f: {  	_ = 	snop  }
0x90: {  	(tm) =	ssettm $0x1  }
0x91: {  	s17 =	sld [smem:$0x3FFB];
	_ =	sdelay $0x3  }
0x92: {  	_ =	strace s17  }
0x93: {  	s2 =	sld [smem:$0x3FFC];
	_ =	sdelay $0x3  }
0x94: {  	_ =	strace s2  }
0x95: {  	s2 =	sld [smem:$0x3FFD];
	_ =	sdelay $0x3  }
0x96: {  	_ =	strace s2  }
0x97: {  	_ =	strace $0x8FFFFFFF  }
0x98: {  	s18 =	sld [smem:$0x3FDB];
	_ =	sdelay $0x1  }
0x99: {  	s19 =	simm.s32 $_scs_section_size  }
0x9a: {  	s4 =	simm.s32 $_size__tile_overlayer_lowered;
	s5 =	simm.s32 $_tile_overlayer_lowered  }
0x9b: {  	s22 =	simm.s32 $0x1BFF;
	s21 =	sshll.u32 s5, $0x1;
	s2 =	sadd.s32 s19, s18  }
0x9c: {  	s6 =	simm.s32 $0x0;
	s20 =	sshll.u32 s4, $0x1;
	s4 =	sadd.s32 s21, s2  }
0x9d: {  	[timem:s6], [sflag:s22] =	dma.local [hbm:s4], s20  }
0x9e: {  	_ =	swait.ge [sflag:s22], s20  }
0x9f: {  	s3 =	ssub.s32 $0x0, s20;
	[sflag:s22] =	ssyncset.done $0x0  }
0xa0: {  	[sflag:s22] =	ssyncadd.s32 s3;
	_ =	sdelay $0x1  }
0xa1: {  	s23 =	simm.s32 $0x1B8B  }
0xa2: {  	_ =	swait.ge [sflag:s23], $0x1  }
0xa3: {  	[sflag:s23] =	ssyncset.done $0x0  }
0xa4: {  	s25 =	simm.s32 $0x1B8E;
	s24 =	sld [smem:$0x3FFE];
	[sflag:s23] =	ssyncadd.s32 $0xFFFFFFFF  }
0xa5: {  	s26 =	simm.s32 $execute0_lowered;
	[smem:$0x3FD2] =	sst s25  }
0xa6: {  	s4 =	sshll.u32 s26, $0x1;
	_ =	strace $0x80000046;
	[dreg:$0x1] =	wrdreg $0xFFFFFFFF  }
0xa7: {  	s28 =	simm.s32 $_size_execute0_lowered;
	s2 =	sadd.s32 s2, s4;
	[dreg:$0x0] =	wrdreg $0x0  }
0xa8: {  	s4 =	sshll.u32 s28, $0x1;
	[dreg:$0x2] =	wrdreg s2  }
0xa9: {  	[dreg:$0x3] =	wrdreg s4  }
0xaa: {  	[dreg:$0x4] =	wrdreg $0xC0  }
0xab: {  	_ =	task [dreg:s6], $0x5FFFF  }
0xac: {  	[dreg:$0x1] =	wrdreg $0xFFFFFFFF  }
0xad: {  	[dreg:$0x0] =	wrdreg $0x60  }
0xae: {  	[dreg:$0x2] =	wrdreg s24  }
0xaf: {  	[dreg:$0x3] =	wrdreg $0x9  }
0xb0: {  	_ =	task.clear_ibuf [dreg:s6], $0x4FFFF;
	_ =	strace $0x90000046  }
0xb1: {  	s29 =	simm.s32 $0x9;
	_ =	strace $0x80000048  }
0xb2: {  	_ =	swait.ge [sflag:s29], $0x1  }
0xb3: {  	[sflag:s29] =	ssyncadd.s32 $0xFFFFFFFF  }
0xb4: {  	_ =	strace $0x90000048  }
0xb5: {  	_ =	sfence  }
0xb6: {  	s30 =	sld [smem:$0x0];
	_ =	sdelay $0x2  }
0xb7: {  	s31 =	sshll.u32 s1, $0xD;
	s1 =	sshrl.u32 s1, $0x2  }
0xb8: {  	s3 =	sand.u32 $0x4000, s31;
	s1 =	sadd.s32 s1, s30  }
0xb9: {  	s0 =	sor.u32 s3, s0;
	s1 =	sshll.u32 s1, $0x11  }
0xba: {  	s0 =	sor.u32 s1, s0  }
0xbb: {  	s0 =	sadd.s32 $0x8F2B, s0  }
0xbc: {  	[sflag:s0] =	ssyncadd.remote.s32 $0x1  }
0xbd: {  	_ =	sfence.sel $0xFFFF  }
0xbe: {  	[dreg:$0x0] =	wrdreg $0xFFFFFFFF;
	(pc) =	sbr.abs _section_cstart, $3  }
0xbf: {  	[dreg:$0x1] =	wrdreg $0xFFFFFFFF  }
0xc0: {  	_ =	task.clear_ibuf [dreg:s6], $0x2FFFF;
	_ =	strace $0x9FFFFFFF  }
0xc1: {  	(tm) =	ssettm $0x7FFFFFFF  }
tec
execute0_lowered:
.L_overlay_start_1:
0x0: {  	(tag) =	ssettag $0x1  }
0x1: {  	s1 =	srdreg.scid;
	s0 =	stileid.u32  }
0x2: {  	s4 =	rddreg [dreg:$0x0];
	s2 =	simm.s32 $0x0;
	s3 =	sand.u32 $0x1, s1  }
0x3: {  	s8 =	simm.s32 $0x2;
	s5 =	sshll.u32 s0, $0x6;
	s6 =	sshll.u32 s3, $0x5  }
0x4: {  	v0 =	vlaneseq.u32;
	s9 =	simm.s32 $0x0;
	s1 =	rddreg [dreg:$0x1];
	s5 =	sor.u32 s6, s5  }
0x5: {  	[smem:$0x7FF] =	sst s2;
	v0 =	vand.u32 $0x1, v0;
	s3 =	ssub.s32 $0x2, s3;
	s6 =	sshrl.u32 s5, $0x3  }
0x6: {  	v0 =	vmul.u32 $0xA1, v0;
	s7 =	sshrl.u32 s3, $0x1;
	s5 =	sshll.u32 s5, $0x4;
	s6 =	smul.u32 $0x180, s6  }
0x7: {  	_ =	strace $0x80000047;
	s31 =	ssub.s32 s3, s7;
	s5 =	sadd.s32 s5, s4  }
0x8: {  	v1 =	vimm.f32 $0.0e+00;
	v2 =	vadd.s32 $0x1, v0;
	v3 =	vadd.s32 $0x2, v0;
	s7 =	simm.s32 $0x1000;
	s3 =	sadd.s32 $0x800, s5;
	s4 =	sadd.s32 s6, s4  }
0x9: {  	v4 =	vadd.s32 $0x3, v0;
	v5 =	vadd.s32 $0x4, v0;
	v6 =	vadd.s32 $0x5, v0;
	s5 =	smax.u32 s31, $0x1;
	s6 =	simm.s32 $0x1;
	s4 =	sadd.s32 $0x4800, s4  }
.LBB2_1:
0xa: {  	s10 =	simm.s32 $0x0  }
0xb: {  	s10 =	smul.u32 $0x3000, s10  }
0xc: {  	[tilespmem:s2], [sflag:$0x1] =	stream.linear.gather [hbm4b:s3+s2], $0x1000, $0x38;
	[tilespmem:$0x4000] =	vst v63  }
0xd: {  	s11 =	sand.u32 $0x300, s2;
	s10 =	sshra.s32 s10, $0x2  }
0xe: {  	s12 =	sor.u32 $0x80, s11;
	s13 =	sadd.s32 $0x1000, s10  }
0xf: {  	s14 =	sor.u32 s12, s13  }
0x10: {  	[tilespmem:s14+$0x0] =	vst v1  }
0x11: {  	[tilespmem:s14+$0x10] =	vst v1  }
0x12: {  	[tilespmem:s14+$0x20] =	vst v1  }
0x13: {  	[tilespmem:s14+$0x30] =	vst v1  }
0x14: {  	[tilespmem:s14+$0x40] =	vst v1  }
0x15: {  	[tilespmem:s14+$0x50] =	vst v1  }
0x16: {  	[tilespmem:s14+$0x60] =	vst v1  }
0x17: {  	s13 =	sor.u32 s11, s13;
	[tilespmem:s14+$0x70] =	vst v1  }
0x18: {  	[tilespmem:s13+$0x0] =	vst v1  }
0x19: {  	[tilespmem:s13+$0x10] =	vst v1  }
0x1a: {  	[tilespmem:s13+$0x20] =	vst v1  }
0x1b: {  	[tilespmem:s13+$0x30] =	vst v1  }
0x1c: {  	[tilespmem:s13+$0x40] =	vst v1  }
0x1d: {  	[tilespmem:s13+$0x50] =	vst v1  }
0x1e: {  	s15 =	sadd.s32 $0x1400, s10;
	[tilespmem:s13+$0x60] =	vst v1  }
0x1f: {  	s30 =	sor.u32 s12, s15;
	[tilespmem:s13+$0x70] =	vst v1  }
0x20: {  	[tilespmem:s30+$0x0] =	vst v1  }
0x21: {  	[tilespmem:s30+$0x10] =	vst v1  }
0x22: {  	[tilespmem:s30+$0x20] =	vst v1  }
0x23: {  	[tilespmem:s30+$0x30] =	vst v1  }
0x24: {  	[tilespmem:s30+$0x40] =	vst v1  }
0x25: {  	[tilespmem:s30+$0x50] =	vst v1  }
0x26: {  	[tilespmem:s30+$0x60] =	vst v1  }
0x27: {  	s31 =	sor.u32 s11, s15;
	[tilespmem:s30+$0x70] =	vst v1  }
0x28: {  	[tilespmem:s31+$0x0] =	vst v1  }
0x29: {  	[tilespmem:s31+$0x10] =	vst v1  }
0x2a: {  	[tilespmem:s31+$0x20] =	vst v1  }
0x2b: {  	[tilespmem:s31+$0x30] =	vst v1  }
0x2c: {  	[tilespmem:s31+$0x40] =	vst v1  }
0x2d: {  	[tilespmem:s31+$0x50] =	vst v1  }
0x2e: {  	s10 =	sadd.s32 $0x1800, s10;
	[tilespmem:s31+$0x60] =	vst v1  }
0x2f: {  	s12 =	sor.u32 s12, s10;
	[tilespmem:s31+$0x70] =	vst v1  }
0x30: {  	s13 =	sor.u32 s11, s10;
	[tilespmem:s12+$0x40] =	vst v1  }
0x31: {  	[tilespmem:s13+$0x0] =	vst v1  }
0x32: {  	s10 =	simm.s32 $0x0;
	s11 =	simm.s32 $0x0;
	[tilespmem:s13+$0x10] =	vst v1  }
.LBB2_2:
0x33: {  	s10 =	sadd.s32 $0x2, s10;
	[tilespmem:s13+$0x20] =	vst v1  }
0x34: {  	s14 =	sshrl.u32 s10, $0x3;
	p0 =	slt.u32 s10, $0x1E;
	[tilespmem:s13+$0x30] =	vst v1  }
0x35: {  	s14 =	smul.u32 $0x3000, s14;
	[tilespmem:s13+$0x40] =	vst v1  }
0x36: {  	s11 =	sadd.s32 $0x100, s11;
	[tilespmem:s12+$0x0] =	vst v1  }
0x37: {  	s13 =	sand.u32 $0x300, s11;
	s14 =	sshra.s32 s14, $0x2;
	[tilespmem:s12+$0x10] =	vst v1  }
0x38: {  	s16 =	sor.u32 $0x80, s13;
	s15 =	sadd.s32 $0x1000, s14;
	[tilespmem:s12+$0x20] =	vst v1  }
0x39: {  	s17 =	sor.u32 s13, s15;
	s15 =	sor.u32 s16, s15;
	[tilespmem:s12+$0x30] =	vst v1  }
0x3a: {  	[tilespmem:s15+$0x0] =	vst v1  }
0x3b: {  	[tilespmem:s15+$0x10] =	vst v1  }
0x3c: {  	[tilespmem:s15+$0x20] =	vst v1  }
0x3d: {  	[tilespmem:s15+$0x30] =	vst v1  }
0x3e: {  	[tilespmem:s15+$0x40] =	vst v1  }
0x3f: {  	[tilespmem:s15+$0x50] =	vst v1  }
0x40: {  	s12 =	sadd.s32 $0x1400, s14;
	[tilespmem:s15+$0x60] =	vst v1  }
0x41: {  	s18 =	sor.u32 s13, s12;
	s12 =	sor.u32 s16, s12;
	[tilespmem:s15+$0x70] =	vst v1  }
0x42: {  	[tilespmem:s12+$0x0] =	vst v1  }
0x43: {  	[tilespmem:s12+$0x10] =	vst v1  }
0x44: {  	[tilespmem:s12+$0x20] =	vst v1  }
0x45: {  	[tilespmem:s12+$0x30] =	vst v1  }
0x46: {  	[tilespmem:s12+$0x40] =	vst v1  }
0x47: {  	[tilespmem:s12+$0x50] =	vst v1  }
0x48: {  	s14 =	sadd.s32 $0x1800, s14;
	[tilespmem:s12+$0x60] =	vst v1  }
0x49: {  	s13 =	sor.u32 s13, s14;
	[tilespmem:s12+$0x70] =	vst v1;
	s12 =	sor.u32 s16, s14  }
0x4a: {  	[tilespmem:s12+$0x40] =	vst v1  }
0x4b: {  	[tilespmem:s17+$0x0] =	vst v1  }
0x4c: {  	[tilespmem:s17+$0x10] =	vst v1  }
0x4d: {  	[tilespmem:s17+$0x20] =	vst v1  }
0x4e: {  	[tilespmem:s17+$0x30] =	vst v1  }
0x4f: {  	[tilespmem:s17+$0x40] =	vst v1  }
0x50: {  	[tilespmem:s17+$0x50] =	vst v1  }
0x51: {  	[tilespmem:s17+$0x60] =	vst v1  }
0x52: {  	[tilespmem:s17+$0x70] =	vst v1  }
0x53: {  	[tilespmem:s18+$0x0] =	vst v1  }
0x54: {  	[tilespmem:s18+$0x10] =	vst v1  }
0x55: {  	[tilespmem:s18+$0x20] =	vst v1  }
0x56: {  	[tilespmem:s18+$0x30] =	vst v1  }
0x57: {  	[tilespmem:s18+$0x40] =	vst v1  }
.Ltmp0:
0x58: {  	[tilespmem:s18+$0x50] =	vst v1;
	(pc) =	sbr.rel @p0 .LBB2_2-.Ltmp0, $4  }
0x59: {  	[tilespmem:s18+$0x60] =	vst v1  }
0x5a: {  	[tilespmem:s18+$0x70] =	vst v1  }
0x5b: {  	[tilespmem:s13+$0x0] =	vst v1  }
0x5c: {  	[tilespmem:s13+$0x10] =	vst v1  }
0x5d: {  	[tilespmem:s13+$0x20] =	vst v1  }
0x5e: {  	[tilespmem:s13+$0x30] =	vst v1  }
0x5f: {  	[tilespmem:s13+$0x40] =	vst v1  }
0x60: {  	[tilespmem:s12+$0x0] =	vst v1  }
0x61: {  	[tilespmem:s12+$0x10] =	vst v1  }
0x62: {  	[tilespmem:s12+$0x20] =	vst v1  }
0x63: {  	[tilespmem:s12+$0x30] =	vst v1;
	s10 =	simm.s32 $0x0;
	s11 =	simm.s32 $0x0  }
0x64: {  	_ =	swait.ge [sflag:s6], $0x1000;
	s29 =	sand.u32 $0x40, s10;
	s11 =	sand.u32 $0x3FFFFF80, s11  }
0x65: {  	s30 =	sand.u32 $0x20, s10;
	[sflag:s6] =	ssyncset.done $0x0;
	s11 =	sor.u32 s29, s11  }
0x66: {  	[sflag:s6] =	ssyncadd.s32 $0xFFFFF000;
	s11 =	sor.u32 s30, s11  }
0x67: {  	v9 =	vld [tilespmem:s11+$0x10];
	_ =	sdelay $0x1  }
0x68: {  	v7 =	vld [tilespmem:s11+$0x0];
	_ =	sdelay $0x2  }
0x69: {  	v8 =	vadd.f32 $1.000000000e+00, v9;
	_ =	sdelay $0x1  }
0x6a: {  	v10 =	vadd.f32 $1.000000000e+00, v7;
	v8 =	vmul.f32 $1.600000000e+01, v8;
	_ =	sdelay $0x1  }
0x6b: {  	v10 =	vmul.f32 $1.600000000e+01, v10;
	v8 =	vtrunc.f32 v8  }
0x6c: {  	v8 =	vcvt.f32.s32 v8  }
0x6d: {  	v10 =	vtrunc.f32 v10  }
0x6e: {  	s31 =	simm.s32 $0x0;
	v11 =	vmul.f32 $3.200000000e+01, v7;
	v10 =	vcvt.f32.s32 v10;
	vm1 =	vlt.s32 v8, $0x1F  }
0x6f: {  	v7 =	vmov s31;
	v9 =	vmul.f32 $3.200000000e+01, v9;
	v12 =	vnsel vm1, $0x1F, v8  }
0x70: {  	vm0 =	vlt.s32 v10, $0x1F;
	v8 =	vshrl.u32 v7, $0x3;
	v13 =	vmul.u32 $0x5, v12  }
0x71: {  	v7 =	vshll.u32 v7, $0x7;
	v10 =	vnsel vm0, $0x1F, v10;
	v8 =	vmul.u32 $0xC00, v8  }
0x72: {  	v7 =	vand.u32 $0x380, v7;
	v12 =	vcvt.s32.f32 v12;
	v14 =	vadd.s32 v0, v13  }
0x73: {  	v15 =	vadd.s32 v2, v13;
	v16 =	vadd.s32 v3, v13;
	v17 =	vadd.s32 v4, v13  }
0x74: {  	v18 =	vadd.s32 v5, v13;
	v12 =	vadd.f32 v12, v12;
	v13 =	vadd.s32 v6, v13  }
0x75: {  	v19 =	vand.u32 $0x7F, v14;
	v20 =	vand.u32 $0x7F, v15;
	v21 =	vand.u32 $0x7F, v16  }
0x76: {  	v22 =	vand.u32 $0x7F, v17;
	v14 =	vshll.u32 v14, $0x3;
	v23 =	vand.u32 $0x7F, v18  }
0x77: {  	v24 =	vand.u32 $0x7F, v13;
	v13 =	vshll.u32 v13, $0x3;
	v9 =	vsub.f32 v9, v12  }
0x78: {  	v12 =	vshll.u32 v15, $0x3;
	v15 =	vshll.u32 v16, $0x3;
	v16 =	vshll.u32 v17, $0x3  }
0x79: {  	v17 =	vshll.u32 v18, $0x3;
	v14 =	vand.u32 $0xFFFFFC00, v14;
	v13 =	vand.u32 $0xFFFFFC00, v13  }
0x7a: {  	v12 =	vand.u32 $0xFFFFFC00, v12;
	v15 =	vand.u32 $0xFFFFFC00, v15;
	v9 =	vadd.f32 $3.100000000e+01, v9  }
0x7b: {  	v16 =	vand.u32 $0xFFFFFC00, v16;
	v17 =	vand.u32 $0xFFFFFC00, v17;
	v14 =	vadd.s32 v8, v14  }
0x7c: {  	v13 =	vadd.s32 v8, v13;
	v18 =	vadd.f32 $-8.090170020e-01, v9;
	v25 =	vadd.f32 $-1.000000000e+00, v9  }
0x7d: {  	v12 =	vadd.s32 v8, v12;
	v15 =	vadd.s32 v8, v15;
	v16 =	vadd.s32 v8, v16  }
0x7e: {  	v26 =	vadd.f32 $-3.090170030e-01, v9;
	v28 =	vadd.f32 $3.090170030e-01, v9;
	v27 =	vmul.f32 v25, v18  }
0x7f: {  	v17 =	vadd.s32 v8, v17;
	v29 =	vadd.f32 $1.000000000e+00, v9;
	v9 =	vadd.f32 $8.090170020e-01, v9  }
0x80: {  	v14 =	vor.u32 v19, v14;
	v13 =	vor.u32 v24, v13;
	v30 =	vmul.f32 v27, v26  }
0x81: {  	v12 =	vor.u32 v20, v12;
	v15 =	vor.u32 v21, v15;
	v19 =	vmul.f32 v9, v29  }
0x82: {  	v16 =	vor.u32 v22, v16;
	v14 =	vor.u32 v7, v14;
	v20 =	vmul.f32 v30, v28  }
0x83: {  	v17 =	vor.u32 v23, v17;
	v21 =	vmul.f32 v19, v28;
	v19 =	vmul.f32 v30, v19  }
0x84: {  	v22 =	vor.u32 v7, v12;
	v9 =	vmul.f32 v20, v9;
	v12 =	vmul.f32 v20, v29  }
0x85: {  	v20 =	vor.u32 v7, v15;
	v15 =	vmul.f32 v21, v26;
	v19 =	vmul.f32 $-3.200000050e+00, v19  }
0x86: {  	v24 =	vor.u32 v7, v16;
	v9 =	vmul.f32 $-1.600000020e+00, v9;
	v23 =	vmul.f32 $3.200000050e+00, v12  }
0x87: {  	v17 =	vor.u32 v7, v17;
	v12 =	vmul.f32 v21, v27;
	v16 =	vmul.f32 v15, v25  }
0x88: {  	v15 =	vmul.f32 v15, v18;
	v18 =	vcvt.s32.f32 v10;
	v10 =	vmul.u32 $0x5, v10  }
0x89: {  	v26 =	vor.u32 v7, v13;
	v21 =	vmul.f32 $3.200000050e+00, v12;
	v27 =	vmul.f32 $-3.200000050e+00, v16  }
0x8a: {  	v61 =	vmul.f32 $1.600000020e+00, v15;
	v15 =	vadd.f32 v18, v18;
	v12 =	vadd.s32 v0, v10;
	[tilespmem:v14+s7+$0x0] =	vst.idx.add.f32.msk $0xffff, v9  }
0x8b: {  	v14 =	vadd.s32 v2, v10;
	v13 =	vadd.s32 v3, v10;
	v16 =	vadd.s32 v4, v10  }
0x8c: {  	v9 =	vshll.u32 v12, $0x3;
	v25 =	vshll.u32 v14, $0x3;
	v18 =	vsub.f32 v11, v15  }
0x8d: {  	[tilespmem:v22+s7+$0x0] =	vst.idx.add.f32.msk $0xffff, v23;
	v62 =	vshll.u32 v13, $0x3;
	v63 =	vshll.u32 v16, $0x3;
	v15 =	vadd.s32 v5, v10  }
0x8e: {  	v11 =	vadd.s32 v6, v10;
	[tilespmem:v20+s7+$0x0] =	vst.idx.add.f32.msk $0xffff, v19;
	v20 =	vand.u32 $0xFFFFFC00, v9;
	v23 =	vadd.f32 $3.100000000e+01, v18  }
0x8f: {  	v19 =	vand.u32 $0xFFFFFC00, v25;
	v22 =	vshll.u32 v15, $0x3;
	[tilespmem:v24+s7+$0x0] =	vst.idx.add.f32.msk $0xffff, v21;
	v25 =	vshll.u32 v11, $0x3  }
0x90: {  	v21 =	vand.u32 $0xFFFFFC00, v62;
	[tilespmem:v17+s7+$0x0] =	vst.idx.add.f32.msk $0xffff, v27;
	v17 =	vadd.f32 $1.000000000e+00, v23;
	v18 =	vadd.f32 $8.090170020e-01, v23  }
0x91: {  	s11 =	simm.s32 $0x0;
	v24 =	vand.u32 $0xFFFFFC00, v63;
	[tilespmem:v26+s7+$0x0] =	vst.idx.add.f32.msk $0xffff, v61;
	v9 =	vadd.f32 $-8.090170020e-01, v23;
	v10 =	vadd.f32 $-1.000000000e+00, v23  }
.LBB2_4:
0x92: {  	s11 =	sadd.s32 $0x2, s11;
	v26 =	vadd.f32 $3.090170030e-01, v23;
	v23 =	vadd.f32 $-3.090170030e-01, v23;
	v27 =	vmul.f32 v18, v17  }
0x93: {  	v22 =	vand.u32 $0xFFFFFC00, v22;
	v25 =	vand.u32 $0xFFFFFC00, v25;
	s10 =	sadd.s32 $0x20, s10;
	s12 =	sshll.u32 s11, $0x4;
	p0 =	slt.u32 s11, $0xFE;
	v28 =	vmul.f32 v10, v9  }
0x94: {  	v20 =	vadd.s32 v8, v20;
	v19 =	vadd.s32 v8, v19;
	s13 =	sand.u32 $0x40, s10;
	s12 =	sand.u32 $0x3FFFFF80, s12;
	v29 =	vmul.f32 v27, v26  }
0x95: {  	v21 =	vadd.s32 v8, v21;
	v24 =	vadd.s32 v8, v24;
	s14 =	sand.u32 $0x20, s10;
	s12 =	sor.u32 s13, s12;
	v30 =	vmul.f32 v28, v23  }
0x96: {  	v22 =	vadd.s32 v8, v22;
	s12 =	sor.u32 s14, s12;
	v23 =	vmul.f32 v29, v23;
	v28 =	vmul.f32 v29, v28  }
0x97: {  	v8 =	vadd.s32 v8, v25;
	v29 =	vld [tilespmem:s12+$0x10];
	v26 =	vmul.f32 v30, v26;
	v27 =	vmul.f32 v30, v27  }
0x98: {  	v12 =	vand.u32 $0x7F, v12;
	v25 =	vld [tilespmem:s12+$0x0];
	v9 =	vmul.f32 v23, v9;
	v10 =	vmul.f32 v23, v10  }
0x99: {  	v14 =	vand.u32 $0x7F, v14;
	v18 =	vmul.f32 v26, v18;
	v17 =	vmul.f32 v26, v17  }
0x9a: {  	v13 =	vand.u32 $0x7F, v13;
	v16 =	vand.u32 $0x7F, v16;
	v15 =	vand.u32 $0x7F, v15  }
0x9b: {  	v23 =	vand.u32 $0x7F, v11;
	v18 =	vmul.f32 $-1.600000020e+00, v18;
	v17 =	vmul.f32 $3.200000050e+00, v17  }
0x9c: {  	v10 =	vmul.f32 $-3.200000050e+00, v10;
	v9 =	vmul.f32 $1.600000020e+00, v9;
	v26 =	vadd.f32 $1.000000000e+00, v29  }
0x9d: {  	v30 =	vadd.f32 $1.000000000e+00, v25;
	v11 =	vmul.f32 $3.200000000e+01, v25;
	v25 =	vmul.f32 $-3.200000050e+00, v27  }
0x9e: {  	v20 =	vor.u32 v12, v20;
	v27 =	vmul.f32 $3.200000050e+00, v28;
	v26 =	vmul.f32 $1.600000000e+01, v26  }
0x9f: {  	v14 =	vor.u32 v14, v19;
	v19 =	vor.u32 v13, v21;
	v28 =	vmul.f32 $1.600000000e+01, v30  }
0xa0: {  	v16 =	vor.u32 v16, v24;
	v12 =	vor.u32 v15, v22;
	v13 =	vtrunc.f32 v26  }
0xa1: {  	v15 =	vtrunc.f32 v28;
	v21 =	vcvt.f32.s32 v13;
	v13 =	vor.u32 v23, v8  }
0xa2: {  	v20 =	vor.u32 v7, v20;
	v14 =	vor.u32 v7, v14;
	v15 =	vcvt.f32.s32 v15  }
0xa3: {  	v19 =	vor.u32 v7, v19;
	v16 =	vor.u32 v7, v16;
	s12 =	sshrl.u32 s11, $0x3;
	vm1 =	vlt.s32 v21, $0x1F  }
0xa4: {  	v8 =	vmov s12;
	vm0 =	vlt.s32 v15, $0x1F;
	v21 =	vnsel vm1, $0x1F, v21  }
0xa5: {  	v22 =	vshrl.u32 v8, $0x3;
	v23 =	vshll.u32 v8, $0x7;
	v24 =	vmul.u32 $0x5, v21  }
0xa6: {  	v8 =	vmul.u32 $0xC00, v22;
	v22 =	vand.u32 $0x380, v23;
	v23 =	vmul.f32 $3.200000000e+01, v29  }
0xa7: {  	v21 =	vcvt.s32.f32 v21;
	v26 =	vadd.s32 v0, v24;
	v28 =	vadd.s32 v2, v24;
	[tilespmem:v20+s7+$0x0] =	vst.idx.add.f32.msk $0xffff, v18  }
0xa8: {  	v18 =	vadd.s32 v3, v24;
	v20 =	vadd.s32 v4, v24;
	v29 =	vadd.s32 v5, v24  }
0xa9: {  	v21 =	vadd.f32 v21, v21;
	v24 =	vadd.s32 v6, v24;
	v30 =	vand.u32 $0x7F, v26;
	[tilespmem:v14+s7+$0x0] =	vst.idx.add.f32.msk $0xffff, v17  }
0xaa: {  	v31 =	vand.u32 $0x7F, v20;
	v14 =	vand.u32 $0x7F, v28;
	v17 =	vand.u32 $0x7F, v18;
	[tilespmem:v19+s7+$0x0] =	vst.idx.add.f32.msk $0xffff, v25  }
0xab: {  	v19 =	vshll.u32 v26, $0x3;
	v25 =	vand.u32 $0x7F, v29;
	v26 =	vand.u32 $0x7F, v24;
	[tilespmem:v16+s7+$0x0] =	vst.idx.add.f32.msk $0xffff, v27  }
0xac: {  	v18 =	vshll.u32 v18, $0x3;
	v16 =	vsub.f32 v23, v21;
	v21 =	vshll.u32 v28, $0x3  }
0xad: {  	v20 =	vshll.u32 v20, $0x3;
	v24 =	vshll.u32 v24, $0x3;
	v23 =	vshll.u32 v29, $0x3  }
0xae: {  	v19 =	vand.u32 $0xFFFFFC00, v19;
	v21 =	vand.u32 $0xFFFFFC00, v21;
	v16 =	vadd.f32 $3.100000000e+01, v16  }
0xaf: {  	v20 =	vand.u32 $0xFFFFFC00, v20;
	v18 =	vand.u32 $0xFFFFFC00, v18;
	v23 =	vand.u32 $0xFFFFFC00, v23  }
0xb0: {  	v24 =	vand.u32 $0xFFFFFC00, v24;
	v27 =	vadd.f32 $-8.090170020e-01, v16;
	v28 =	vadd.f32 $-1.000000000e+00, v16  }
0xb1: {  	v18 =	vadd.s32 v8, v18;
	v19 =	vadd.s32 v8, v19;
	v21 =	vadd.s32 v8, v21  }
0xb2: {  	v20 =	vadd.s32 v8, v20;
	v29 =	vadd.f32 $-3.090170030e-01, v16;
	v32 =	vmul.f32 v28, v27  }
0xb3: {  	v24 =	vadd.s32 v8, v24;
	v23 =	vadd.s32 v8, v23;
	v33 =	vadd.f32 $3.090170030e-01, v16  }
0xb4: {  	v34 =	vadd.f32 $1.000000000e+00, v16;
	v16 =	vadd.f32 $8.090170020e-01, v16;
	v35 =	vmul.f32 v32, v29  }
0xb5: {  	v17 =	vor.u32 v17, v18;
	v19 =	vor.u32 v30, v19;
	v14 =	vor.u32 v14, v21  }
0xb6: {  	v20 =	vor.u32 v31, v20;
	v18 =	vmul.f32 v16, v34;
	v21 =	vmul.f32 v35, v33  }
0xb7: {  	v24 =	vor.u32 v26, v24;
	v19 =	vor.u32 v22, v19;
	v23 =	vor.u32 v25, v23  }
0xb8: {  	v14 =	vor.u32 v22, v14;
	v25 =	vmul.f32 v18, v33;
	v16 =	vmul.f32 v21, v16  }
0xb9: {  	v17 =	vor.u32 v22, v17;
	v18 =	vmul.f32 v35, v18;
	v21 =	vmul.f32 v21, v34  }
0xba: {  	v20 =	vor.u32 v22, v20;
	v26 =	vmul.f32 v25, v29;
	v16 =	vmul.f32 $-1.600000020e+00, v16  }
0xbb: {  	v23 =	vor.u32 v22, v23;
	v25 =	vmul.f32 v25, v32;
	v21 =	vmul.f32 $3.200000050e+00, v21  }
0xbc: {  	v18 =	vmul.f32 $-3.200000050e+00, v18;
	v28 =	vmul.f32 v26, v28;
	[tilespmem:v19+s7+$0x0] =	vst.idx.add.f32.msk $0xffff, v16;
	v16 =	vor.u32 v22, v24  }
0xbd: {  	v15 =	vnsel vm0, $0x1F, v15;
	v19 =	vmul.f32 v26, v27;
	v24 =	vmul.f32 $3.200000050e+00, v25;
	[tilespmem:v14+s7+$0x0] =	vst.idx.add.f32.msk $0xffff, v21  }
0xbe: {  	v14 =	vcvt.s32.f32 v15;
	v21 =	vmul.u32 $0x5, v15;
	v15 =	vmul.f32 $-3.200000050e+00, v28;
	[tilespmem:v17+s7+$0x0] =	vst.idx.add.f32.msk $0xffff, v18  }
0xbf: {  	v17 =	vmul.f32 $1.600000020e+00, v19;
	v18 =	vor.u32 v7, v12;
	[tilespmem:v20+s7+$0x0] =	vst.idx.add.f32.msk $0xffff, v24;
	v24 =	vor.u32 v7, v13  }
0xc0: {  	v19 =	vadd.f32 v14, v14;
	v12 =	vadd.s32 v0, v21;
	v7 =	vmov v22;
	[tilespmem:v23+s7+$0x0] =	vst.idx.add.f32.msk $0xffff, v15  }
0xc1: {  	v14 =	vadd.s32 v2, v21;
	v13 =	vadd.s32 v3, v21;
	v20 =	vshll.u32 v12, $0x3;
	[tilespmem:v16+s7+$0x0] =	vst.idx.add.f32.msk $0xffff, v17  }
0xc2: {  	v15 =	vadd.s32 v5, v21;
	v17 =	vsub.f32 v11, v19;
	v16 =	vadd.s32 v4, v21  }
.Ltmp1:
0xc3: {  	v26 =	vshll.u32 v13, $0x3;
	v19 =	vshll.u32 v14, $0x3;
	v11 =	vadd.s32 v6, v21;
	(pc) =	sbr.rel @p0 .LBB2_4-.Ltmp1, $4  }
0xc4: {  	v22 =	vshll.u32 v15, $0x3;
	v27 =	vshll.u32 v16, $0x3;
	v23 =	vadd.f32 $3.100000000e+01, v17;
	[tilespmem:v18+s7+$0x0] =	vst.idx.add.f32.msk $0xffff, v10  }
0xc5: {  	v20 =	vand.u32 $0xFFFFFC00, v20;
	v19 =	vand.u32 $0xFFFFFC00, v19;
	v25 =	vshll.u32 v11, $0x3;
	[tilespmem:v24+s7+$0x0] =	vst.idx.add.f32.msk $0xffff, v9  }
0xc6: {  	v21 =	vand.u32 $0xFFFFFC00, v26;
	v17 =	vadd.f32 $1.000000000e+00, v23;
	v18 =	vadd.f32 $8.090170020e-01, v23  }
0xc7: {  	v9 =	vadd.f32 $-8.090170020e-01, v23;
	v10 =	vadd.f32 $-1.000000000e+00, v23;
	v24 =	vand.u32 $0xFFFFFC00, v27  }
0xc8: {  	v26 =	vadd.f32 $3.090170030e-01, v23;
	v27 =	vmul.f32 v18, v17;
	v57 =	vadd.f32 $-3.090170030e-01, v23  }
0xc9: {  	v22 =	vand.u32 $0xFFFFFC00, v22;
	v25 =	vand.u32 $0xFFFFFC00, v25;
	v20 =	vadd.s32 v8, v20  }
0xca: {  	v19 =	vadd.s32 v8, v19;
	v21 =	vadd.s32 v8, v21;
	v24 =	vadd.s32 v8, v24  }
0xcb: {  	v12 =	vand.u32 $0x7F, v12;
	v14 =	vand.u32 $0x7F, v14;
	v28 =	vmul.f32 v10, v9  }
0xcc: {  	v13 =	vand.u32 $0x7F, v13;
	v16 =	vand.u32 $0x7F, v16;
	v15 =	vand.u32 $0x7F, v15  }
0xcd: {  	v11 =	vand.u32 $0x7F, v11;
	v22 =	vadd.s32 v8, v22;
	v30 =	vmul.f32 v28, v57  }
0xce: {  	v8 =	vadd.s32 v8, v25;
	v12 =	vor.u32 v12, v20;
	v14 =	vor.u32 v14, v19  }
0xcf: {  	v13 =	vor.u32 v13, v21;
	v29 =	vmul.f32 v27, v26;
	v26 =	vmul.f32 v30, v26  }
0xd0: {  	v16 =	vor.u32 v16, v24;
	v12 =	vor.u32 v7, v12;
	v14 =	vor.u32 v7, v14  }
0xd1: {  	v13 =	vor.u32 v7, v13;
	v15 =	vor.u32 v15, v22;
	v58 =	vmul.f32 v26, v18  }
0xd2: {  	v16 =	vor.u32 v7, v16;
	v23 =	vmul.f32 v29, v57;
	v59 =	vmul.f32 v26, v17  }
0xd3: {  	v8 =	vor.u32 v11, v8;
	v27 =	vmul.f32 v30, v27;
	v18 =	vmul.f32 $-1.600000020e+00, v58  }
0xd4: {  	v60 =	vor.u32 v7, v15;
	v28 =	vmul.f32 v29, v28;
	v17 =	vmul.f32 $3.200000050e+00, v59  }
0xd5: {  	v7 =	vor.u32 v7, v8;
	v61 =	vmul.f32 v23, v10;
	v62 =	vmul.f32 $-3.200000050e+00, v27;
	[tilespmem:v12+s7+$0x0] =	vst.idx.add.f32.msk $0xffff, v18  }
0xd6: {  	v8 =	vmul.f32 v23, v9;
	v63 =	vmul.f32 $3.200000050e+00, v28;
	[tilespmem:v14+s7+$0x0] =	vst.idx.add.f32.msk $0xffff, v17  }
0xd7: {  	v10 =	vmul.f32 $-3.200000050e+00, v61;
	[tilespmem:v13+s7+$0x0] =	vst.idx.add.f32.msk $0xffff, v62  }
0xd8: {  	s9 =	sadd.s32 $0x1, s9;
	v8 =	vmul.f32 $1.600000020e+00, v8;
	[tilespmem:v16+s7+$0x0] =	vst.idx.add.f32.msk $0xffff, v63  }
0xd9: {  	p0 =	sne.s32 s9, s5;
	[tilespmem:v60+s7+$0x0] =	vst.idx.add.f32.msk $0xffff, v10  }
.Ltmp2:
0xda: {  	[tilespmem:v7+s7+$0x0] =	vst.idx.add.f32.msk $0xffff, v8;
	(pc) =	sbr.rel @p0 .LBB2_1-.Ltmp2, $4  }
0xdb: {  	[hbm4b:s4+s2] =	stream.linear.scatter [tilespmem:s7], [sflag:$0x2], $0x3000, $0x38;
	[tilespmem:$0x4000] =	vst v63  }
0xdc: {  	_ =	swait.ge [sflag:s8], $0x3000  }
0xdd: {  	[sflag:s8] =	ssyncset.done $0x0  }
0xde: {  	[sflag:s8] =	ssyncadd.s32 $0xFFFFD000  }
0xdf: {  	_ =	sfence.sel $0x180000  }
0xe0: {  	[bflag:$0x0] =	sbarrier.arrive $0xFFFF  }
0xe1: {  	p0 =	sne.s32 s0, $0x0;
	_ =	strace $0x90000047  }
0xe2: {  	s0 =	sadd.s32 @!p0 $0x100000, s1;
	[bflag:$0x2] =	sbarrier.arrive $0xFFFF  }
0xe3: {  	[sflag:s0] =	ssyncadd.tile.s32 @!p0 $0x1;
	_ =	shalt  }
.Lfunc_end2:
_tile_overlayer_lowered:
.L_overlay_start_2:
0xe4: {  	(tag) =	ssettag $0x2  }
0xe5: {  	s0 =	rddreg [dreg:$0x0];
	s2 =	stileid.u32  }
0xe6: {  	s1 =	rddreg [dreg:$0x1];
	p0 =	sne.s32 s2, $0x0  }
0xe7: {  	s3 =	rddreg [dreg:$0x2];
	[bflag:$0x3] =	sbarrier.arrive $0xFFFF;
	s2 =	simm.s32 @!p0 $0x1C02  }
0xe8: {  	[timem:s3], [sflag:s2] =	dma.local @!p0 [hbm:s0], s1  }
0xe9: {  	s0 =	simm.s32 @!p0 $0x2  }
0xea: {  	_ =	swait.ge @!p0 [sflag:s0], s1  }
0xeb: {  	s1 =	ssub.s32 @!p0 $0x0, s1;
	[sflag:s0] =	ssyncset.done @!p0 $0x0  }
0xec: {  	[sflag:s0] =	ssyncadd.s32 @!p0 s1  }
0xed: {  	[bflag:$0x3] =	sbarrier.arrive $0xFFFF  }
0xee: {  	_ =	shalt  }

</sc_bundles>
